<compile_context>
chip_gen: v7x
topology: tpu7x:2x2x1
jax: 0.10.2.dev20260603
libtpu: 0.0.44.dev20260713+nightly
codegen_flags: <defaults>
</compile_context>

<pallas_src>
import functools

import jax
import jax.numpy as jnp
from jax import lax
from jax.experimental import pallas as pl
from jax.experimental.pallas import tpu as pltpu
from jax.experimental.pallas import tpu_sc as plsc

N = 10000
D = 128
E = 320000
NC = 2
NS = 16
NW = NC * NS
EPW = E // NW
CH = 120
NRING = 82
REM = EPW - (NRING + 1) * CH
RPT = 632
RPT_LAST = N - RPT * (NS - 1)


def _seg_sum_body(h_hbm, src_hbm, dst_hbm, zeros_hbm, out_hbm,
                  sidx_all, didx_all, rows0, rows1, agg_sh, sem0, sem1):
    cid = lax.axis_index("c")
    sid = lax.axis_index("s")
    wid = sid * NC + cid
    rows = (rows0, rows1)
    sems = (sem0, sem1)

    pltpu.sync_copy(src_hbm.at[pl.ds(wid * EPW, EPW)], sidx_all)
    pltpu.sync_copy(dst_hbm.at[pl.ds(wid * EPW, EPW)], didx_all)

    def gather_start(c, b):
        pltpu.async_copy(h_hbm.at[sidx_all.at[pl.ds(c * CH, CH)]],
                         rows[b], sems[b])

    def gather_wait(c, b):
        pltpu.make_async_copy(h_hbm.at[sidx_all.at[pl.ds(c * CH, CH)]],
                              rows[b], sems[b]).wait()

    gather_start(0, 0)
    gather_start(1, 1)

    @pl.when(sid < NS - 1)
    def _():
        pltpu.sync_copy(zeros_hbm.at[pl.ds(sid * RPT, RPT)],
                        agg_sh.at[pl.ds(sid * RPT, RPT)])

    @pl.when(sid == NS - 1)
    def _():
        pltpu.sync_copy(zeros_hbm.at[pl.ds(RPT * (NS - 1), RPT_LAST)],
                        agg_sh.at[pl.ds(RPT * (NS - 1), RPT_LAST)])

    plsc.subcore_barrier()

    def ring(g, _):
        for b in range(2):
            c = g + b
            gather_wait(c, b)

            @pl.when(c + 2 < NRING)
            def _():
                gather_start(c + 2, b)

            pltpu.sync_copy(rows[b], agg_sh.at[didx_all.at[pl.ds(c * CH, CH)]],
                            add=True)
        return ()

    lax.fori_loop(0, NRING // 2, lambda i, c: ring(2 * i, c), (),
                  unroll=False)

    eb = NRING * CH
    rb = eb + CH
    pltpu.async_copy(h_hbm.at[sidx_all.at[pl.ds(eb, CH)]], rows0, sem0)
    pltpu.async_copy(h_hbm.at[sidx_all.at[pl.ds(rb, REM)]],
                     rows1.at[pl.ds(0, REM)], sem1)
    pltpu.make_async_copy(h_hbm.at[sidx_all.at[pl.ds(eb, CH)]], rows0,
                          sem0).wait()
    pltpu.sync_copy(rows0, agg_sh.at[didx_all.at[pl.ds(eb, CH)]], add=True)
    pltpu.make_async_copy(h_hbm.at[sidx_all.at[pl.ds(rb, REM)]],
                          rows1.at[pl.ds(0, REM)], sem1).wait()
    pltpu.sync_copy(rows1.at[pl.ds(0, REM)],
                    agg_sh.at[didx_all.at[pl.ds(rb, REM)]], add=True)

    plsc.subcore_barrier()

    @pl.when(sid < NS - 1)
    def _():
        pltpu.sync_copy(agg_sh.at[pl.ds(sid * RPT, RPT)],
                        out_hbm.at[cid, pl.ds(sid * RPT, RPT)])

    @pl.when(sid == NS - 1)
    def _():
        pltpu.sync_copy(agg_sh.at[pl.ds(RPT * (NS - 1), RPT_LAST)],
                        out_hbm.at[cid, pl.ds(RPT * (NS - 1), RPT_LAST)])


@jax.jit
def _segment_sum_sc(h, src, dst, zeros):
    mesh = plsc.VectorSubcoreMesh(core_axis_name="c", subcore_axis_name="s",
                                  num_cores=NC, num_subcores=NS)
    f = pl.kernel(
        _seg_sum_body,
        out_type=jax.ShapeDtypeStruct((NC, N, D), jnp.float32),
        mesh=mesh,
        scratch_types=[
            pltpu.VMEM((EPW,), jnp.int32),
            pltpu.VMEM((EPW,), jnp.int32),
            pltpu.VMEM((CH, D), jnp.float32),
            pltpu.VMEM((CH, D), jnp.float32),
            pltpu.VMEM_SHARED((N, D), jnp.float32),
            pltpu.SemaphoreType.DMA,
            pltpu.SemaphoreType.DMA,
        ],
    )
    return f(h, src, dst, zeros)


BN = 1000


def _mlp_body(eps_ref, h_ref, agg_ref, Wa_ref, ba_ref, Wb_ref, bb_ref, out_ref):
    ev = eps_ref[0, 0]
    z = h_ref[...] * ev + agg_ref[0] + agg_ref[1]
    z = jnp.maximum(
        jnp.dot(z, Wa_ref[...], preferred_element_type=jnp.float32)
        + ba_ref[...], 0.0)
    z = jnp.maximum(
        jnp.dot(z, Wb_ref[...], preferred_element_type=jnp.float32)
        + bb_ref[...], 0.0)
    out_ref[...] = z


@jax.jit
def _mlp_tc(epsv, h, agg, Wa, ba, Wb, bb):
    grid = (N // BN,)
    return pl.pallas_call(
        _mlp_body,
        grid=grid,
        in_specs=[
            pl.BlockSpec(memory_space=pltpu.SMEM),
            pl.BlockSpec((BN, D), lambda i: (i, 0)),
            pl.BlockSpec((NC, BN, D), lambda i: (0, i, 0)),
            pl.BlockSpec((D, D), lambda i: (0, 0)),
            pl.BlockSpec((1, D), lambda i: (0, 0)),
            pl.BlockSpec((D, D), lambda i: (0, 0)),
            pl.BlockSpec((1, D), lambda i: (0, 0)),
        ],
        out_specs=pl.BlockSpec((BN, D), lambda i: (i, 0)),
        out_shape=jax.ShapeDtypeStruct((N, D), jnp.float32),
    )(epsv, h, agg, Wa, ba, Wb, bb)


F = N * D
BF = 64000
NBF = F // BF
NA = 12
NVH = 64


def _head_body(h_ref, WadvT_ref, Wv1T_ref, badv_ref, bv1_ref, Wv2_ref, bv2_ref,
               Wv3t_ref, bv3_ref, out_ref, acc_adv, acc_val):
    i = pl.program_id(0)

    @pl.when(i == 0)
    def _():
        acc_adv[...] = jnp.zeros_like(acc_adv)
        acc_val[...] = jnp.zeros_like(acc_val)

    hb = h_ref[...]
    acc_adv[...] += lax.dot_general(
        hb, WadvT_ref[...], (((1,), (1,)), ((), ())),
        preferred_element_type=jnp.float32)
    acc_val[...] += lax.dot_general(
        hb, Wv1T_ref[...], (((1,), (1,)), ((), ())),
        preferred_element_type=jnp.float32)

    @pl.when(i == NBF - 1)
    def _():
        adv = jnp.maximum(acc_adv[...] + badv_ref[...], 0.0)
        val = jnp.maximum(acc_val[...] + bv1_ref[...], 0.0)
        val = jnp.maximum(
            jnp.dot(val, Wv2_ref[...], preferred_element_type=jnp.float32)
            + bv2_ref[...], 0.0)
        v3 = jnp.sum(val * Wv3t_ref[...], axis=1, keepdims=True) + bv3_ref[...]
        r = lax.broadcasted_iota(jnp.int32, (NA, NA), 0)
        c = lax.broadcasted_iota(jnp.int32, (NA, NA), 1)
        G = jnp.where((r // 4) == (c // 4), 0.25, 0.0).astype(jnp.float32)
        madv = jnp.dot(adv, G, preferred_element_type=jnp.float32)
        out_ref[...] = v3 + adv - madv


@jax.jit
def _head_tc(h_flat, Wadv, Wv1, badv, bv1, Wv2, bv2, Wv3t, bv3):
    return pl.pallas_call(
        _head_body,
        grid=(NBF,),
        in_specs=[
            pl.BlockSpec((1, BF), lambda i: (0, i)),
            pl.BlockSpec((NA, BF), lambda i: (0, i)),
            pl.BlockSpec((NVH, BF), lambda i: (0, i)),
            pl.BlockSpec((1, NA), lambda i: (0, 0)),
            pl.BlockSpec((1, NVH), lambda i: (0, 0)),
            pl.BlockSpec((NVH, NVH), lambda i: (0, 0)),
            pl.BlockSpec((1, NVH), lambda i: (0, 0)),
            pl.BlockSpec((1, NVH), lambda i: (0, 0)),
            pl.BlockSpec((1, 1), lambda i: (0, 0)),
        ],
        out_specs=pl.BlockSpec((1, NA), lambda i: (0, 0)),
        out_shape=jax.ShapeDtypeStruct((1, NA), jnp.float32),
        scratch_shapes=[
            pltpu.VMEM((1, NA), jnp.float32),
            pltpu.VMEM((1, NVH), jnp.float32),
        ],
    )(h_flat, Wadv, Wv1, badv, bv1, Wv2, bv2, Wv3t, bv3)


def kernel(x, edge_index, W1a, b1a, W1b, b1b, W2a, b2a, W2b, b2b, eps,
           Wadv, badv, Wv1, bv1, Wv2, bv2, Wv3, bv3):
    h = x.reshape(N, D)
    zeros = jnp.zeros((N, D), jnp.float32)
    src = edge_index[0]
    dst = edge_index[1]

    Ws = [(W1a, b1a.reshape(1, D), W1b, b1b.reshape(1, D))] + \
         [(W2a, b2a.reshape(1, D), W2b, b2b.reshape(1, D))] * 4

    for layer in range(5):
        agg = _segment_sum_sc(h, src, dst, zeros)
        Wa, ba, Wb, bb = Ws[layer]
        epsv = (1.0 + eps[layer]).reshape(1, 1)
        h = _mlp_tc(epsv, h, agg, Wa, ba, Wb, bb)

    h_flat = h.reshape(1, F)
    q = _head_tc(h_flat, Wadv.T, Wv1.T,
                 badv.reshape(1, NA), bv1.reshape(1, NVH),
                 Wv2, bv2.reshape(1, NVH),
                 Wv3.reshape(1, NVH), bv3.reshape(1, 1))
    return q.reshape(1, 3, 4)

# --- scband reference (transcript-rebuilt; emitter-appended) ---
"""Pipeline reference for scband-bhs-gin-16724602651180 (READ-ONLY COPY).

The authoritative reference and input builder live on the scoring server;
editing this copy changes nothing except your own understanding.
"""

import jax
import jax.numpy as jnp
import numpy as np

N = 10000
E = 320000
D = 128
H = 128
NUM_ACTIONS = [4, 4, 4]


def _linear_init(key, fan_in, fan_out):
    s = 1.0 / np.sqrt(fan_in)
    kw, kb = jax.random.split(key)
    W = jax.random.uniform(kw, (fan_in, fan_out), minval=-s, maxval=s, dtype=jnp.float32)
    b = jax.random.uniform(kb, (fan_out,), minval=-s, maxval=s, dtype=jnp.float32)
    return W, b


def setup_inputs(seed: int = 0):
    key = jax.random.key(seed)
    ks = jax.random.split(key, 12)
    x = jax.random.normal(ks[0], (1, N, D), dtype=jnp.float32)
    edge_index = jax.random.randint(ks[1], (2, E), 0, N, dtype=jnp.int32)
    W1a, b1a = _linear_init(ks[2], D, H)
    W1b, b1b = _linear_init(ks[3], H, H)
    W2a, b2a = _linear_init(ks[4], H, H)
    W2b, b2b = _linear_init(ks[5], H, H)
    feat = N * H
    Wadv, badv = _linear_init(ks[6], feat, sum(NUM_ACTIONS))
    Wv1, bv1 = _linear_init(ks[7], feat, 64)
    Wv2, bv2 = _linear_init(ks[8], 64, 64)
    Wv3, bv3 = _linear_init(ks[9], 64, 1)
    eps = jnp.zeros((5,), dtype=jnp.float32)
    return {"x": x, "edge_index": edge_index, "W1a": W1a, "b1a": b1a, "W1b": W1b, "b1b": b1b, "W2a": W2a, "b2a": b2a, "W2b": W2b, "b2b": b2b, "eps": eps, "Wadv": Wadv, "badv": badv, "Wv1": Wv1, "bv1": bv1, "Wv2": Wv2, "bv2": bv2, "Wv3": Wv3, "bv3": bv3}


def _gin_conv(h, edge_index, eps, Wa, ba, Wb, bb):
    src = edge_index[0]
    dst = edge_index[1]
    agg = jax.ops.segment_sum(h[src], dst, num_segments=h.shape[0])
    z = (1.0 + eps) * h + agg
    z = jnp.maximum(jnp.dot(z, Wa) + ba, 0.0)
    z = jnp.dot(z, Wb) + bb
    return z


def reference(x, edge_index, W1a, b1a, W1b, b1b, W2a, b2a, W2b, b2b, eps, Wadv, badv, Wv1, bv1, Wv2, bv2, Wv3, bv3):
    B = x.shape[0]
    h = x.reshape(B * x.shape[1], x.shape[2])
    h = jnp.maximum(_gin_conv(h, edge_index, eps[0], W1a, b1a, W1b, b1b), 0.0)
    h = jnp.maximum(_gin_conv(h, edge_index, eps[1], W2a, b2a, W2b, b2b), 0.0)
    h = jnp.maximum(_gin_conv(h, edge_index, eps[2], W2a, b2a, W2b, b2b), 0.0)
    h = jnp.maximum(_gin_conv(h, edge_index, eps[3], W2a, b2a, W2b, b2b), 0.0)
    h = jnp.maximum(_gin_conv(h, edge_index, eps[4], W2a, b2a, W2b, b2b), 0.0)
    h = h.reshape(B, -1)
    adv = jnp.maximum(jnp.dot(h, Wadv) + badv, 0.0)
    adv = adv.reshape(B, len(NUM_ACTIONS), -1)
    val = jnp.maximum(jnp.dot(h, Wv1) + bv1, 0.0)
    val = jnp.maximum(jnp.dot(val, Wv2) + bv2, 0.0)
    val = jnp.dot(val, Wv3) + bv3
    return val[:, :, None] + adv - jnp.mean(adv, axis=-1, keepdims=True)

if __name__ == "__main__":
    import jax
    _d = setup_inputs()
    print(jax.jit(kernel)(*tuple(_d.values())))

</pallas_src>

<mosaic_0001>
#map = affine_map<(d0, d1) -> (0, 0)>
#map1 = affine_map<(d0, d1) -> (0)>
#map2 = affine_map<(d0, d1) -> (0, 0, 0)>
module attributes {stable_mosaic.version = 14 : i64} {
  func.func @_seg_sum_body(%arg0: i32, %arg1: i32, %arg2: memref<10000x128xf32, #tpu.memory_space<hbm>>, %arg3: memref<320000xi32, #tpu.memory_space<hbm>>, %arg4: memref<320000xi32, #tpu.memory_space<hbm>>, %arg5: memref<10000x128xf32, #tpu.memory_space<hbm>>, %arg6: memref<2x10000x128xf32, #tpu.memory_space<hbm>>, %arg7: memref<10000xi32, #tpu.memory_space<vmem>>, %arg8: memref<10000xi32, #tpu.memory_space<vmem>>, %arg9: memref<120x128xf32, #tpu.memory_space<vmem>>, %arg10: memref<120x128xf32, #tpu.memory_space<vmem>>, %arg11: memref<10000x128xf32, #tpu.memory_space<vmem_shared>>, %arg12: memref<!tpu.dma_semaphore, #tpu.memory_space<semaphore_mem>>, %arg13: memref<!tpu.dma_semaphore, #tpu.memory_space<semaphore_mem>>) attributes {dimension_semantics = [#tpu.dimension_semantics<core_parallel>, #tpu.dimension_semantics<subcore_parallel>], iteration_bounds = array<i64: 2, 16>, scalar_prefetch = 0 : i64, scratch_operands = 7 : i64, tpu.core_type = #tpu.core_type<sc_vector_subcore>, window_params = [{transform_indices = #map}, {transform_indices = #map1}, {transform_indices = #map1}, {transform_indices = #map}, {transform_indices = #map2}]} {
    %mul3A = arith.constant 2 : i32
    %mul3A_0 = arith.muli %arg1, %mul3A : i32
    %add3A = arith.addi %mul3A_0, %arg0 : i32
    %mul3A_1 = arith.constant 10000 : i32
    %mul3A_2 = arith.muli %add3A, %mul3A_1 : i32
    "tpu.region"() ({
      %run_scoped3A = tpu.sem_alloc : memref<!tpu.dma_semaphore, #tpu.memory_space<semaphore_mem>>
      %dma_start3A_60 = tpu.memref_slice %arg3[%mul3A_2] : memref<320000xi32, #tpu.memory_space<hbm>> -> memref<10000xi32, #tpu.memory_space<hbm>>
      %dma_start3A_61 = tpu.memref_slice %arg3[%mul3A_2] : memref<320000xi32, #tpu.memory_space<hbm>> -> memref<10000xi32, #tpu.memory_space<hbm>>
      tpu.enqueue_dma source(%dma_start3A_61 : memref<10000xi32, #tpu.memory_space<hbm>>) target(%arg7 : memref<10000xi32, #tpu.memory_space<vmem>>) target_semaphore(%run_scoped3A : memref<!tpu.dma_semaphore, #tpu.memory_space<semaphore_mem>>)
      %dma_wait3A_62 = tpu.memref_slice %arg3[%mul3A_2] : memref<320000xi32, #tpu.memory_space<hbm>> -> memref<10000xi32, #tpu.memory_space<hbm>>
      %dma_wait3A_63 = tpu.memref_slice %arg3[%mul3A_2] : memref<320000xi32, #tpu.memory_space<hbm>> -> memref<10000xi32, #tpu.memory_space<hbm>>
      tpu.wait_dma2 semaphore(%run_scoped3A : memref<!tpu.dma_semaphore, #tpu.memory_space<semaphore_mem>>) src(%dma_wait3A_63 : memref<10000xi32, #tpu.memory_space<hbm>>) dst(%arg7 : memref<10000xi32, #tpu.memory_space<vmem>>)
      tpu.yield
    }) : () -> ()
    %mul3A_3 = arith.constant 10000 : i32
    %mul3A_4 = arith.muli %add3A, %mul3A_3 : i32
    "tpu.region"() ({
      %run_scoped3A = tpu.sem_alloc : memref<!tpu.dma_semaphore, #tpu.memory_space<semaphore_mem>>
      %dma_start3A_60 = tpu.memref_slice %arg4[%mul3A_4] : memref<320000xi32, #tpu.memory_space<hbm>> -> memref<10000xi32, #tpu.memory_space<hbm>>
      %dma_start3A_61 = tpu.memref_slice %arg4[%mul3A_4] : memref<320000xi32, #tpu.memory_space<hbm>> -> memref<10000xi32, #tpu.memory_space<hbm>>
      tpu.enqueue_dma source(%dma_start3A_61 : memref<10000xi32, #tpu.memory_space<hbm>>) target(%arg8 : memref<10000xi32, #tpu.memory_space<vmem>>) target_semaphore(%run_scoped3A : memref<!tpu.dma_semaphore, #tpu.memory_space<semaphore_mem>>)
      %dma_wait3A_62 = tpu.memref_slice %arg4[%mul3A_4] : memref<320000xi32, #tpu.memory_space<hbm>> -> memref<10000xi32, #tpu.memory_space<hbm>>
      %dma_wait3A_63 = tpu.memref_slice %arg4[%mul3A_4] : memref<320000xi32, #tpu.memory_space<hbm>> -> memref<10000xi32, #tpu.memory_space<hbm>>
      tpu.wait_dma2 semaphore(%run_scoped3A : memref<!tpu.dma_semaphore, #tpu.memory_space<semaphore_mem>>) src(%dma_wait3A_63 : memref<10000xi32, #tpu.memory_space<hbm>>) dst(%arg8 : memref<10000xi32, #tpu.memory_space<vmem>>)
      tpu.yield
    }) : () -> ()
    %dma_start3A = arith.constant 0 : i32
    %dma_start3A_5 = tpu.memref_slice %arg7[%dma_start3A] : memref<10000xi32, #tpu.memory_space<vmem>> -> memref<120xi32, #tpu.memory_space<vmem>>
    %dma_start3A_6 = arith.constant 0 : i32
    %dma_start3A_7 = arith.constant 0 : i32
    %dma_start3A_8 = tpu.memref_slice %arg2[%dma_start3A_6, %dma_start3A_7] : memref<10000x128xf32, #tpu.memory_space<hbm>> -> memref<10000x128xf32, #tpu.memory_space<hbm>>
    tpu.enqueue_indirect_dma source(%dma_start3A_8 : memref<10000x128xf32, #tpu.memory_space<hbm>>) target(%arg9 : memref<120x128xf32, #tpu.memory_space<vmem>>) offsets(%dma_start3A_5 : memref<120xi32, #tpu.memory_space<vmem>>) semaphore(%arg12 : memref<!tpu.dma_semaphore, #tpu.memory_space<semaphore_mem>>)
    %dma_start3A_9 = arith.constant 120 : i32
    %dma_start3A_10 = tpu.memref_slice %arg7[%dma_start3A_9] : memref<10000xi32, #tpu.memory_space<vmem>> -> memref<120xi32, #tpu.memory_space<vmem>>
    %dma_start3A_11 = arith.constant 0 : i32
    %dma_start3A_12 = arith.constant 0 : i32
    %dma_start3A_13 = tpu.memref_slice %arg2[%dma_start3A_11, %dma_start3A_12] : memref<10000x128xf32, #tpu.memory_space<hbm>> -> memref<10000x128xf32, #tpu.memory_space<hbm>>
    tpu.enqueue_indirect_dma source(%dma_start3A_13 : memref<10000x128xf32, #tpu.memory_space<hbm>>) target(%arg10 : memref<120x128xf32, #tpu.memory_space<vmem>>) offsets(%dma_start3A_10 : memref<120xi32, #tpu.memory_space<vmem>>) semaphore(%arg13 : memref<!tpu.dma_semaphore, #tpu.memory_space<semaphore_mem>>)
    %lt3A = arith.constant 15 : i32
    %lt3A_14 = arith.cmpi slt, %arg1, %lt3A : i32
    %convert_element_type3A = arith.extui %lt3A_14 : i1 to i32
    %cond3A = arith.constant 0 : i32
    %cond3A_15 = arith.cmpi ne, %convert_element_type3A, %cond3A : i32
    scf.if %cond3A_15 {
      %mul3A_60 = arith.constant 632 : i32
      %mul3A_61 = arith.muli %arg1, %mul3A_60 : i32
      %mul3A_62 = arith.constant 632 : i32
      %mul3A_63 = arith.muli %arg1, %mul3A_62 : i32
      "tpu.region"() ({
        %run_scoped3A = tpu.sem_alloc : memref<!tpu.dma_semaphore, #tpu.memory_space<semaphore_mem>>
        %dma_start3A_64 = arith.constant 0 : i32
        %dma_start3A_65 = tpu.memref_slice %arg11[%mul3A_63, %dma_start3A_64] : memref<10000x128xf32, #tpu.memory_space<vmem_shared>> -> memref<632x128xf32, #tpu.memory_space<vmem_shared>>
        %dma_start3A_66 = arith.constant 0 : i32
        %dma_start3A_67 = tpu.memref_slice %arg5[%mul3A_61, %dma_start3A_66] : memref<10000x128xf32, #tpu.memory_space<hbm>> -> memref<632x128xf32, #tpu.memory_space<hbm>>
        tpu.enqueue_dma source(%dma_start3A_67 : memref<632x128xf32, #tpu.memory_space<hbm>>) target(%dma_start3A_65 : memref<632x128xf32, #tpu.memory_space<vmem_shared>>) target_semaphore(%run_scoped3A : memref<!tpu.dma_semaphore, #tpu.memory_space<semaphore_mem>>)
        %dma_wait3A_68 = arith.constant 0 : i32
        %dma_wait3A_69 = tpu.memref_slice %arg11[%mul3A_63, %dma_wait3A_68] : memref<10000x128xf32, #tpu.memory_space<vmem_shared>> -> memref<632x128xf32, #tpu.memory_space<vmem_shared>>
        %dma_wait3A_70 = arith.constant 0 : i32
        %dma_wait3A_71 = tpu.memref_slice %arg5[%mul3A_61, %dma_wait3A_70] : memref<10000x128xf32, #tpu.memory_space<hbm>> -> memref<632x128xf32, #tpu.memory_space<hbm>>
        tpu.wait_dma2 semaphore(%run_scoped3A : memref<!tpu.dma_semaphore, #tpu.memory_space<semaphore_mem>>) src(%dma_wait3A_71 : memref<632x128xf32, #tpu.memory_space<hbm>>) dst(%dma_wait3A_69 : memref<632x128xf32, #tpu.memory_space<vmem_shared>>)
        tpu.yield
      }) : () -> ()
    } else {
    }
    %eq3A = arith.constant 15 : i32
    %eq3A_16 = arith.cmpi eq, %arg1, %eq3A : i32
    %convert_element_type3A_17 = arith.extui %eq3A_16 : i1 to i32
    %cond3A_18 = arith.constant 0 : i32
    %cond3A_19 = arith.cmpi ne, %convert_element_type3A_17, %cond3A_18 : i32
    scf.if %cond3A_19 {
      "tpu.region"() ({
        %run_scoped3A = tpu.sem_alloc : memref<!tpu.dma_semaphore, #tpu.memory_space<semaphore_mem>>
        %dma_start3A_60 = arith.constant 9480 : i32
        %dma_start3A_61 = arith.constant 0 : i32
        %dma_start3A_62 = tpu.memref_slice %arg11[%dma_start3A_60, %dma_start3A_61] : memref<10000x128xf32, #tpu.memory_space<vmem_shared>> -> memref<520x128xf32, #tpu.memory_space<vmem_shared>>
        %dma_start3A_63 = arith.constant 9480 : i32
        %dma_start3A_64 = arith.constant 0 : i32
        %dma_start3A_65 = tpu.memref_slice %arg5[%dma_start3A_63, %dma_start3A_64] : memref<10000x128xf32, #tpu.memory_space<hbm>> -> memref<520x128xf32, #tpu.memory_space<hbm>>
        tpu.enqueue_dma source(%dma_start3A_65 : memref<520x128xf32, #tpu.memory_space<hbm>>) target(%dma_start3A_62 : memref<520x128xf32, #tpu.memory_space<vmem_shared>>) target_semaphore(%run_scoped3A : memref<!tpu.dma_semaphore, #tpu.memory_space<semaphore_mem>>)
        %dma_wait3A_66 = arith.constant 9480 : i32
        %dma_wait3A_67 = arith.constant 0 : i32
        %dma_wait3A_68 = tpu.memref_slice %arg11[%dma_wait3A_66, %dma_wait3A_67] : memref<10000x128xf32, #tpu.memory_space<vmem_shared>> -> memref<520x128xf32, #tpu.memory_space<vmem_shared>>
        %dma_wait3A_69 = arith.constant 9480 : i32
        %dma_wait3A_70 = arith.constant 0 : i32
        %dma_wait3A_71 = tpu.memref_slice %arg5[%dma_wait3A_69, %dma_wait3A_70] : memref<10000x128xf32, #tpu.memory_space<hbm>> -> memref<520x128xf32, #tpu.memory_space<hbm>>
        tpu.wait_dma2 semaphore(%run_scoped3A : memref<!tpu.dma_semaphore, #tpu.memory_space<semaphore_mem>>) src(%dma_wait3A_71 : memref<520x128xf32, #tpu.memory_space<hbm>>) dst(%dma_wait3A_68 : memref<520x128xf32, #tpu.memory_space<vmem_shared>>)
        tpu.yield
      }) : () -> ()
    } else {
    }
    %barrier3A = arith.constant 0 : index
    tpu.barrier barrier_id(%barrier3A)
    %scan3A = arith.constant 0 : i32
    %scan3A_20 = arith.constant 41 : i32
    %scan3A_21 = arith.addi %scan3A, %scan3A_20 : i32
    %scan3A_22 = arith.constant 1 : i32
    scf.for %scan3A_60 = %scan3A to %scan3A_21 step %scan3A_22  : i32 {
      %mul3A_61 = arith.constant 2 : i32
      %mul3A_62 = arith.muli %mul3A_61, %scan3A_60 : i32
      %add3A_63 = arith.constant 0 : i32
      %add3A_64 = arith.addi %mul3A_62, %add3A_63 : i32
      %mul3A_65 = arith.constant 120 : i32
      %mul3A_66 = arith.muli %add3A_64, %mul3A_65 : i32
      %dma_wait3A_67 = tpu.memref_slice %arg7[%mul3A_66] : memref<10000xi32, #tpu.memory_space<vmem>> -> memref<120xi32, #tpu.memory_space<vmem>>
      %dma_wait3A_68 = arith.constant 0 : i32
      %dma_wait3A_69 = arith.constant 0 : i32
      %dma_wait3A_70 = tpu.memref_slice %arg2[%dma_wait3A_68, %dma_wait3A_69] : memref<10000x128xf32, #tpu.memory_space<hbm>> -> memref<10000x128xf32, #tpu.memory_space<hbm>>
      tpu.wait_indirect_dma semaphore(%arg12 : memref<!tpu.dma_semaphore, #tpu.memory_space<semaphore_mem>>) src(%dma_wait3A_70 : memref<10000x128xf32, #tpu.memory_space<hbm>>) dst(%arg9 : memref<120x128xf32, #tpu.memory_space<vmem>>)
      %add3A_71 = arith.constant 2 : i32
      %add3A_72 = arith.addi %add3A_64, %add3A_71 : i32
      %lt3A_73 = arith.constant 82 : i32
      %lt3A_74 = arith.cmpi slt, %add3A_72, %lt3A_73 : i32
      %convert_element_type3A_75 = arith.extui %lt3A_74 : i1 to i32
      %cond3A_76 = arith.constant 0 : i32
      %cond3A_77 = arith.cmpi ne, %convert_element_type3A_75, %cond3A_76 : i32
      scf.if %cond3A_77 {
        %add3A_97 = arith.constant 2 : i32
        %add3A_98 = arith.addi %add3A_64, %add3A_97 : i32
        %mul3A_99 = arith.constant 120 : i32
        %mul3A_100 = arith.muli %add3A_98, %mul3A_99 : i32
        %dma_start3A_101 = tpu.memref_slice %arg7[%mul3A_100] : memref<10000xi32, #tpu.memory_space<vmem>> -> memref<120xi32, #tpu.memory_space<vmem>>
        %dma_start3A_102 = arith.constant 0 : i32
        %dma_start3A_103 = arith.constant 0 : i32
        %dma_start3A_104 = tpu.memref_slice %arg2[%dma_start3A_102, %dma_start3A_103] : memref<10000x128xf32, #tpu.memory_space<hbm>> -> memref<10000x128xf32, #tpu.memory_space<hbm>>
        tpu.enqueue_indirect_dma source(%dma_start3A_104 : memref<10000x128xf32, #tpu.memory_space<hbm>>) target(%arg9 : memref<120x128xf32, #tpu.memory_space<vmem>>) offsets(%dma_start3A_101 : memref<120xi32, #tpu.memory_space<vmem>>) semaphore(%arg12 : memref<!tpu.dma_semaphore, #tpu.memory_space<semaphore_mem>>)
      } else {
      }
      %mul3A_78 = arith.constant 120 : i32
      %mul3A_79 = arith.muli %add3A_64, %mul3A_78 : i32
      "tpu.region"() ({
        %run_scoped3A = tpu.sem_alloc : memref<!tpu.dma_semaphore, #tpu.memory_space<semaphore_mem>>
        %dma_start3A_97 = tpu.memref_slice %arg8[%mul3A_79] : memref<10000xi32, #tpu.memory_space<vmem>> -> memref<120xi32, #tpu.memory_space<vmem>>
        %dma_start3A_98 = arith.constant 0 : i32
        %dma_start3A_99 = arith.constant 0 : i32
        %dma_start3A_100 = tpu.memref_slice %arg11[%dma_start3A_98, %dma_start3A_99] : memref<10000x128xf32, #tpu.memory_space<vmem_shared>> -> memref<10000x128xf32, #tpu.memory_space<vmem_shared>>
        tpu.enqueue_indirect_dma source(%arg9 : memref<120x128xf32, #tpu.memory_space<vmem>>) target(%dma_start3A_100 : memref<10000x128xf32, #tpu.memory_space<vmem_shared>>) offsets(%dma_start3A_97 : memref<120xi32, #tpu.memory_space<vmem>>) semaphore(%run_scoped3A : memref<!tpu.dma_semaphore, #tpu.memory_space<semaphore_mem>>) {add = true}
        %dma_wait3A_101 = tpu.memref_slice %arg8[%mul3A_79] : memref<10000xi32, #tpu.memory_space<vmem>> -> memref<120xi32, #tpu.memory_space<vmem>>
        %dma_wait3A_102 = arith.constant 0 : i32
        %dma_wait3A_103 = arith.constant 0 : i32
        %dma_wait3A_104 = tpu.memref_slice %arg11[%dma_wait3A_102, %dma_wait3A_103] : memref<10000x128xf32, #tpu.memory_space<vmem_shared>> -> memref<10000x128xf32, #tpu.memory_space<vmem_shared>>
        tpu.wait_indirect_dma semaphore(%run_scoped3A : memref<!tpu.dma_semaphore, #tpu.memory_space<semaphore_mem>>) src(%arg9 : memref<120x128xf32, #tpu.memory_space<vmem>>) dst(%dma_wait3A_104 : memref<10000x128xf32, #tpu.memory_space<vmem_shared>>)
        tpu.yield
      }) : () -> ()
      %add3A_80 = arith.constant 1 : i32
      %add3A_81 = arith.addi %mul3A_62, %add3A_80 : i32
      %mul3A_82 = arith.constant 120 : i32
      %mul3A_83 = arith.muli %add3A_81, %mul3A_82 : i32
      %dma_wait3A_84 = tpu.memref_slice %arg7[%mul3A_83] : memref<10000xi32, #tpu.memory_space<vmem>> -> memref<120xi32, #tpu.memory_space<vmem>>
      %dma_wait3A_85 = arith.constant 0 : i32
      %dma_wait3A_86 = arith.constant 0 : i32
      %dma_wait3A_87 = tpu.memref_slice %arg2[%dma_wait3A_85, %dma_wait3A_86] : memref<10000x128xf32, #tpu.memory_space<hbm>> -> memref<10000x128xf32, #tpu.memory_space<hbm>>
      tpu.wait_indirect_dma semaphore(%arg13 : memref<!tpu.dma_semaphore, #tpu.memory_space<semaphore_mem>>) src(%dma_wait3A_87 : memref<10000x128xf32, #tpu.memory_space<hbm>>) dst(%arg10 : memref<120x128xf32, #tpu.memory_space<vmem>>)
      %add3A_88 = arith.constant 2 : i32
      %add3A_89 = arith.addi %add3A_81, %add3A_88 : i32
      %lt3A_90 = arith.constant 82 : i32
      %lt3A_91 = arith.cmpi slt, %add3A_89, %lt3A_90 : i32
      %convert_element_type3A_92 = arith.extui %lt3A_91 : i1 to i32
      %cond3A_93 = arith.constant 0 : i32
      %cond3A_94 = arith.cmpi ne, %convert_element_type3A_92, %cond3A_93 : i32
      scf.if %cond3A_94 {
        %add3A_97 = arith.constant 2 : i32
        %add3A_98 = arith.addi %add3A_81, %add3A_97 : i32
        %mul3A_99 = arith.constant 120 : i32
        %mul3A_100 = arith.muli %add3A_98, %mul3A_99 : i32
        %dma_start3A_101 = tpu.memref_slice %arg7[%mul3A_100] : memref<10000xi32, #tpu.memory_space<vmem>> -> memref<120xi32, #tpu.memory_space<vmem>>
        %dma_start3A_102 = arith.constant 0 : i32
        %dma_start3A_103 = arith.constant 0 : i32
        %dma_start3A_104 = tpu.memref_slice %arg2[%dma_start3A_102, %dma_start3A_103] : memref<10000x128xf32, #tpu.memory_space<hbm>> -> memref<10000x128xf32, #tpu.memory_space<hbm>>
        tpu.enqueue_indirect_dma source(%dma_start3A_104 : memref<10000x128xf32, #tpu.memory_space<hbm>>) target(%arg10 : memref<120x128xf32, #tpu.memory_space<vmem>>) offsets(%dma_start3A_101 : memref<120xi32, #tpu.memory_space<vmem>>) semaphore(%arg13 : memref<!tpu.dma_semaphore, #tpu.memory_space<semaphore_mem>>)
      } else {
      }
      %mul3A_95 = arith.constant 120 : i32
      %mul3A_96 = arith.muli %add3A_81, %mul3A_95 : i32
      "tpu.region"() ({
        %run_scoped3A = tpu.sem_alloc : memref<!tpu.dma_semaphore, #tpu.memory_space<semaphore_mem>>
        %dma_start3A_97 = tpu.memref_slice %arg8[%mul3A_96] : memref<10000xi32, #tpu.memory_space<vmem>> -> memref<120xi32, #tpu.memory_space<vmem>>
        %dma_start3A_98 = arith.constant 0 : i32
        %dma_start3A_99 = arith.constant 0 : i32
        %dma_start3A_100 = tpu.memref_slice %arg11[%dma_start3A_98, %dma_start3A_99] : memref<10000x128xf32, #tpu.memory_space<vmem_shared>> -> memref<10000x128xf32, #tpu.memory_space<vmem_shared>>
        tpu.enqueue_indirect_dma source(%arg10 : memref<120x128xf32, #tpu.memory_space<vmem>>) target(%dma_start3A_100 : memref<10000x128xf32, #tpu.memory_space<vmem_shared>>) offsets(%dma_start3A_97 : memref<120xi32, #tpu.memory_space<vmem>>) semaphore(%run_scoped3A : memref<!tpu.dma_semaphore, #tpu.memory_space<semaphore_mem>>) {add = true}
        %dma_wait3A_101 = tpu.memref_slice %arg8[%mul3A_96] : memref<10000xi32, #tpu.memory_space<vmem>> -> memref<120xi32, #tpu.memory_space<vmem>>
        %dma_wait3A_102 = arith.constant 0 : i32
        %dma_wait3A_103 = arith.constant 0 : i32
        %dma_wait3A_104 = tpu.memref_slice %arg11[%dma_wait3A_102, %dma_wait3A_103] : memref<10000x128xf32, #tpu.memory_space<vmem_shared>> -> memref<10000x128xf32, #tpu.memory_space<vmem_shared>>
        tpu.wait_indirect_dma semaphore(%run_scoped3A : memref<!tpu.dma_semaphore, #tpu.memory_space<semaphore_mem>>) src(%arg10 : memref<120x128xf32, #tpu.memory_space<vmem>>) dst(%dma_wait3A_104 : memref<10000x128xf32, #tpu.memory_space<vmem_shared>>)
        tpu.yield
      }) : () -> ()
    }
    %scan3A_23 = arith.constant 41 : i32
    %dma_start3A_24 = arith.constant 9840 : i32
    %dma_start3A_25 = tpu.memref_slice %arg7[%dma_start3A_24] : memref<10000xi32, #tpu.memory_space<vmem>> -> memref<120xi32, #tpu.memory_space<vmem>>
    %dma_start3A_26 = arith.constant 0 : i32
    %dma_start3A_27 = arith.constant 0 : i32
    %dma_start3A_28 = tpu.memref_slice %arg2[%dma_start3A_26, %dma_start3A_27] : memref<10000x128xf32, #tpu.memory_space<hbm>> -> memref<10000x128xf32, #tpu.memory_space<hbm>>
    tpu.enqueue_indirect_dma source(%dma_start3A_28 : memref<10000x128xf32, #tpu.memory_space<hbm>>) target(%arg9 : memref<120x128xf32, #tpu.memory_space<vmem>>) offsets(%dma_start3A_25 : memref<120xi32, #tpu.memory_space<vmem>>) semaphore(%arg12 : memref<!tpu.dma_semaphore, #tpu.memory_space<semaphore_mem>>)
    %dma_start3A_29 = arith.constant 0 : i32
    %dma_start3A_30 = arith.constant 0 : i32
    %dma_start3A_31 = tpu.memref_slice %arg10[%dma_start3A_29, %dma_start3A_30] : memref<120x128xf32, #tpu.memory_space<vmem>> -> memref<40x128xf32, #tpu.memory_space<vmem>>
    %dma_start3A_32 = arith.constant 9960 : i32
    %dma_start3A_33 = tpu.memref_slice %arg7[%dma_start3A_32] : memref<10000xi32, #tpu.memory_space<vmem>> -> memref<40xi32, #tpu.memory_space<vmem>>
    %dma_start3A_34 = arith.constant 0 : i32
    %dma_start3A_35 = arith.constant 0 : i32
    %dma_start3A_36 = tpu.memref_slice %arg2[%dma_start3A_34, %dma_start3A_35] : memref<10000x128xf32, #tpu.memory_space<hbm>> -> memref<10000x128xf32, #tpu.memory_space<hbm>>
    tpu.enqueue_indirect_dma source(%dma_start3A_36 : memref<10000x128xf32, #tpu.memory_space<hbm>>) target(%dma_start3A_31 : memref<40x128xf32, #tpu.memory_space<vmem>>) offsets(%dma_start3A_33 : memref<40xi32, #tpu.memory_space<vmem>>) semaphore(%arg13 : memref<!tpu.dma_semaphore, #tpu.memory_space<semaphore_mem>>)
    %dma_wait3A = arith.constant 9840 : i32
    %dma_wait3A_37 = tpu.memref_slice %arg7[%dma_wait3A] : memref<10000xi32, #tpu.memory_space<vmem>> -> memref<120xi32, #tpu.memory_space<vmem>>
    %dma_wait3A_38 = arith.constant 0 : i32
    %dma_wait3A_39 = arith.constant 0 : i32
    %dma_wait3A_40 = tpu.memref_slice %arg2[%dma_wait3A_38, %dma_wait3A_39] : memref<10000x128xf32, #tpu.memory_space<hbm>> -> memref<10000x128xf32, #tpu.memory_space<hbm>>
    tpu.wait_indirect_dma semaphore(%arg12 : memref<!tpu.dma_semaphore, #tpu.memory_space<semaphore_mem>>) src(%dma_wait3A_40 : memref<10000x128xf32, #tpu.memory_space<hbm>>) dst(%arg9 : memref<120x128xf32, #tpu.memory_space<vmem>>)
    "tpu.region"() ({
      %run_scoped3A = tpu.sem_alloc : memref<!tpu.dma_semaphore, #tpu.memory_space<semaphore_mem>>
      %dma_start3A_60 = arith.constant 9840 : i32
      %dma_start3A_61 = tpu.memref_slice %arg8[%dma_start3A_60] : memref<10000xi32, #tpu.memory_space<vmem>> -> memref<120xi32, #tpu.memory_space<vmem>>
      %dma_start3A_62 = arith.constant 0 : i32
      %dma_start3A_63 = arith.constant 0 : i32
      %dma_start3A_64 = tpu.memref_slice %arg11[%dma_start3A_62, %dma_start3A_63] : memref<10000x128xf32, #tpu.memory_space<vmem_shared>> -> memref<10000x128xf32, #tpu.memory_space<vmem_shared>>
      tpu.enqueue_indirect_dma source(%arg9 : memref<120x128xf32, #tpu.memory_space<vmem>>) target(%dma_start3A_64 : memref<10000x128xf32, #tpu.memory_space<vmem_shared>>) offsets(%dma_start3A_61 : memref<120xi32, #tpu.memory_space<vmem>>) semaphore(%run_scoped3A : memref<!tpu.dma_semaphore, #tpu.memory_space<semaphore_mem>>) {add = true}
      %dma_wait3A_65 = arith.constant 9840 : i32
      %dma_wait3A_66 = tpu.memref_slice %arg8[%dma_wait3A_65] : memref<10000xi32, #tpu.memory_space<vmem>> -> memref<120xi32, #tpu.memory_space<vmem>>
      %dma_wait3A_67 = arith.constant 0 : i32
      %dma_wait3A_68 = arith.constant 0 : i32
      %dma_wait3A_69 = tpu.memref_slice %arg11[%dma_wait3A_67, %dma_wait3A_68] : memref<10000x128xf32, #tpu.memory_space<vmem_shared>> -> memref<10000x128xf32, #tpu.memory_space<vmem_shared>>
      tpu.wait_indirect_dma semaphore(%run_scoped3A : memref<!tpu.dma_semaphore, #tpu.memory_space<semaphore_mem>>) src(%arg9 : memref<120x128xf32, #tpu.memory_space<vmem>>) dst(%dma_wait3A_69 : memref<10000x128xf32, #tpu.memory_space<vmem_shared>>)
      tpu.yield
    }) : () -> ()
    %dma_wait3A_41 = arith.constant 0 : i32
    %dma_wait3A_42 = arith.constant 0 : i32
    %dma_wait3A_43 = tpu.memref_slice %arg10[%dma_wait3A_41, %dma_wait3A_42] : memref<120x128xf32, #tpu.memory_space<vmem>> -> memref<40x128xf32, #tpu.memory_space<vmem>>
    %dma_wait3A_44 = arith.constant 9960 : i32
    %dma_wait3A_45 = tpu.memref_slice %arg7[%dma_wait3A_44] : memref<10000xi32, #tpu.memory_space<vmem>> -> memref<40xi32, #tpu.memory_space<vmem>>
    %dma_wait3A_46 = arith.constant 0 : i32
    %dma_wait3A_47 = arith.constant 0 : i32
    %dma_wait3A_48 = tpu.memref_slice %arg2[%dma_wait3A_46, %dma_wait3A_47] : memref<10000x128xf32, #tpu.memory_space<hbm>> -> memref<10000x128xf32, #tpu.memory_space<hbm>>
    tpu.wait_indirect_dma semaphore(%arg13 : memref<!tpu.dma_semaphore, #tpu.memory_space<semaphore_mem>>) src(%dma_wait3A_48 : memref<10000x128xf32, #tpu.memory_space<hbm>>) dst(%dma_wait3A_43 : memref<40x128xf32, #tpu.memory_space<vmem>>)
    "tpu.region"() ({
      %run_scoped3A = tpu.sem_alloc : memref<!tpu.dma_semaphore, #tpu.memory_space<semaphore_mem>>
      %dma_start3A_60 = arith.constant 0 : i32
      %dma_start3A_61 = arith.constant 0 : i32
      %dma_start3A_62 = tpu.memref_slice %arg10[%dma_start3A_60, %dma_start3A_61] : memref<120x128xf32, #tpu.memory_space<vmem>> -> memref<40x128xf32, #tpu.memory_space<vmem>>
      %dma_start3A_63 = arith.constant 9960 : i32
      %dma_start3A_64 = tpu.memref_slice %arg8[%dma_start3A_63] : memref<10000xi32, #tpu.memory_space<vmem>> -> memref<40xi32, #tpu.memory_space<vmem>>
      %dma_start3A_65 = arith.constant 0 : i32
      %dma_start3A_66 = arith.constant 0 : i32
      %dma_start3A_67 = tpu.memref_slice %arg11[%dma_start3A_65, %dma_start3A_66] : memref<10000x128xf32, #tpu.memory_space<vmem_shared>> -> memref<10000x128xf32, #tpu.memory_space<vmem_shared>>
      tpu.enqueue_indirect_dma source(%dma_start3A_62 : memref<40x128xf32, #tpu.memory_space<vmem>>) target(%dma_start3A_67 : memref<10000x128xf32, #tpu.memory_space<vmem_shared>>) offsets(%dma_start3A_64 : memref<40xi32, #tpu.memory_space<vmem>>) semaphore(%run_scoped3A : memref<!tpu.dma_semaphore, #tpu.memory_space<semaphore_mem>>) {add = true}
      %dma_wait3A_68 = arith.constant 0 : i32
      %dma_wait3A_69 = arith.constant 0 : i32
      %dma_wait3A_70 = tpu.memref_slice %arg10[%dma_wait3A_68, %dma_wait3A_69] : memref<120x128xf32, #tpu.memory_space<vmem>> -> memref<40x128xf32, #tpu.memory_space<vmem>>
      %dma_wait3A_71 = arith.constant 9960 : i32
      %dma_wait3A_72 = tpu.memref_slice %arg8[%dma_wait3A_71] : memref<10000xi32, #tpu.memory_space<vmem>> -> memref<40xi32, #tpu.memory_space<vmem>>
      %dma_wait3A_73 = arith.constant 0 : i32
      %dma_wait3A_74 = arith.constant 0 : i32
      %dma_wait3A_75 = tpu.memref_slice %arg11[%dma_wait3A_73, %dma_wait3A_74] : memref<10000x128xf32, #tpu.memory_space<vmem_shared>> -> memref<10000x128xf32, #tpu.memory_space<vmem_shared>>
      tpu.wait_indirect_dma semaphore(%run_scoped3A : memref<!tpu.dma_semaphore, #tpu.memory_space<semaphore_mem>>) src(%dma_wait3A_70 : memref<40x128xf32, #tpu.memory_space<vmem>>) dst(%dma_wait3A_75 : memref<10000x128xf32, #tpu.memory_space<vmem_shared>>)
      tpu.yield
    }) : () -> ()
    %barrier3A_49 = arith.constant 0 : index
    tpu.barrier barrier_id(%barrier3A_49)
    %lt3A_50 = arith.constant 15 : i32
    %lt3A_51 = arith.cmpi slt, %arg1, %lt3A_50 : i32
    %convert_element_type3A_52 = arith.extui %lt3A_51 : i1 to i32
    %cond3A_53 = arith.constant 0 : i32
    %cond3A_54 = arith.cmpi ne, %convert_element_type3A_52, %cond3A_53 : i32
    scf.if %cond3A_54 {
      %mul3A_60 = arith.constant 632 : i32
      %mul3A_61 = arith.muli %arg1, %mul3A_60 : i32
      %mul3A_62 = arith.constant 632 : i32
      %mul3A_63 = arith.muli %arg1, %mul3A_62 : i32
      "tpu.region"() ({
        %run_scoped3A = tpu.sem_alloc : memref<!tpu.dma_semaphore, #tpu.memory_space<semaphore_mem>>
        %dma_start3A_64 = arith.constant 0 : i32
        %dma_start3A_65 = tpu.memref_slice %arg6[%arg0, %mul3A_63, %dma_start3A_64] : memref<2x10000x128xf32, #tpu.memory_space<hbm>> -> memref<1x632x128xf32, #tpu.memory_space<hbm>>
        %dma_start3A_66 = tpu.memref_squeeze %dma_start3A_65 : memref<1x632x128xf32, #tpu.memory_space<hbm>> -> memref<632x128xf32, #tpu.memory_space<hbm>>
        %dma_start3A_67 = arith.constant 0 : i32
        %dma_start3A_68 = tpu.memref_slice %arg11[%mul3A_61, %dma_start3A_67] : memref<10000x128xf32, #tpu.memory_space<vmem_shared>> -> memref<632x128xf32, #tpu.memory_space<vmem_shared>>
        tpu.enqueue_dma source(%dma_start3A_68 : memref<632x128xf32, #tpu.memory_space<vmem_shared>>) target(%dma_start3A_66 : memref<632x128xf32, #tpu.memory_space<hbm>>) target_semaphore(%run_scoped3A : memref<!tpu.dma_semaphore, #tpu.memory_space<semaphore_mem>>)
        %dma_wait3A_69 = arith.constant 0 : i32
        %dma_wait3A_70 = tpu.memref_slice %arg6[%arg0, %mul3A_63, %dma_wait3A_69] : memref<2x10000x128xf32, #tpu.memory_space<hbm>> -> memref<1x632x128xf32, #tpu.memory_space<hbm>>
        %dma_wait3A_71 = tpu.memref_squeeze %dma_wait3A_70 : memref<1x632x128xf32, #tpu.memory_space<hbm>> -> memref<632x128xf32, #tpu.memory_space<hbm>>
        %dma_wait3A_72 = arith.constant 0 : i32
        %dma_wait3A_73 = tpu.memref_slice %arg11[%mul3A_61, %dma_wait3A_72] : memref<10000x128xf32, #tpu.memory_space<vmem_shared>> -> memref<632x128xf32, #tpu.memory_space<vmem_shared>>
        tpu.wait_dma2 semaphore(%run_scoped3A : memref<!tpu.dma_semaphore, #tpu.memory_space<semaphore_mem>>) src(%dma_wait3A_73 : memref<632x128xf32, #tpu.memory_space<vmem_shared>>) dst(%dma_wait3A_71 : memref<632x128xf32, #tpu.memory_space<hbm>>)
        tpu.yield
      }) : () -> ()
    } else {
    }
    %eq3A_55 = arith.constant 15 : i32
    %eq3A_56 = arith.cmpi eq, %arg1, %eq3A_55 : i32
    %convert_element_type3A_57 = arith.extui %eq3A_56 : i1 to i32
    %cond3A_58 = arith.constant 0 : i32
    %cond3A_59 = arith.cmpi ne, %convert_element_type3A_57, %cond3A_58 : i32
    scf.if %cond3A_59 {
      "tpu.region"() ({
        %run_scoped3A = tpu.sem_alloc : memref<!tpu.dma_semaphore, #tpu.memory_space<semaphore_mem>>
        %dma_start3A_60 = arith.constant 9480 : i32
        %dma_start3A_61 = arith.constant 0 : i32
        %dma_start3A_62 = tpu.memref_slice %arg6[%arg0, %dma_start3A_60, %dma_start3A_61] : memref<2x10000x128xf32, #tpu.memory_space<hbm>> -> memref<1x520x128xf32, #tpu.memory_space<hbm>>
        %dma_start3A_63 = tpu.memref_squeeze %dma_start3A_62 : memref<1x520x128xf32, #tpu.memory_space<hbm>> -> memref<520x128xf32, #tpu.memory_space<hbm>>
        %dma_start3A_64 = arith.constant 9480 : i32
        %dma_start3A_65 = arith.constant 0 : i32
        %dma_start3A_66 = tpu.memref_slice %arg11[%dma_start3A_64, %dma_start3A_65] : memref<10000x128xf32, #tpu.memory_space<vmem_shared>> -> memref<520x128xf32, #tpu.memory_space<vmem_shared>>
        tpu.enqueue_dma source(%dma_start3A_66 : memref<520x128xf32, #tpu.memory_space<vmem_shared>>) target(%dma_start3A_63 : memref<520x128xf32, #tpu.memory_space<hbm>>) target_semaphore(%run_scoped3A : memref<!tpu.dma_semaphore, #tpu.memory_space<semaphore_mem>>)
        %dma_wait3A_67 = arith.constant 9480 : i32
        %dma_wait3A_68 = arith.constant 0 : i32
        %dma_wait3A_69 = tpu.memref_slice %arg6[%arg0, %dma_wait3A_67, %dma_wait3A_68] : memref<2x10000x128xf32, #tpu.memory_space<hbm>> -> memref<1x520x128xf32, #tpu.memory_space<hbm>>
        %dma_wait3A_70 = tpu.memref_squeeze %dma_wait3A_69 : memref<1x520x128xf32, #tpu.memory_space<hbm>> -> memref<520x128xf32, #tpu.memory_space<hbm>>
        %dma_wait3A_71 = arith.constant 9480 : i32
        %dma_wait3A_72 = arith.constant 0 : i32
        %dma_wait3A_73 = tpu.memref_slice %arg11[%dma_wait3A_71, %dma_wait3A_72] : memref<10000x128xf32, #tpu.memory_space<vmem_shared>> -> memref<520x128xf32, #tpu.memory_space<vmem_shared>>
        tpu.wait_dma2 semaphore(%run_scoped3A : memref<!tpu.dma_semaphore, #tpu.memory_space<semaphore_mem>>) src(%dma_wait3A_73 : memref<520x128xf32, #tpu.memory_space<vmem_shared>>) dst(%dma_wait3A_70 : memref<520x128xf32, #tpu.memory_space<hbm>>)
        tpu.yield
      }) : () -> ()
    } else {
    }
    return
  }
}

</mosaic_0001>

<sc_bundles>
// kernel: _segment_sum_sc.3.cloned.1.call-start
scs
__scs_entry_jumppad:
0x0: {  	(pc) =	sbr.rel $0x88, $3  }
0x1: {  	(tag) =	ssettag $0x0;
	lr =	simm.s32 $0x1  }
0x2: {  	[smem:$0x3F9D] =	sst lr;
	_ =	strace $0xD0000000  }
0x3: {  	_ = 	snop  }
0x4: {  	_ = 	snop  }
0x5: {  	_ = 	snop  }
0x6: {  	_ = 	snop  }
0x7: {  	_ = 	snop  }
__scs_overlays_trampoline_lowered:
0x8: {  	[smem:$0x3FAC] =	sst s0  }
0x9: {  	[smem:$0x3FAD] =	sst s1  }
0xa: {  	[smem:$0x3FAE] =	sst s2  }
0xb: {  	[smem:$0x3FAF] =	sst s3  }
0xc: {  	[smem:$0x3FB0] =	sst s4  }
0xd: {  	[smem:$0x3FB1] =	sst s5  }
0xe: {  	[smem:$0x3FB2] =	sst s6  }
0xf: {  	[smem:$0x3FB3] =	sst s7  }
0x10: {  	[smem:$0x3FB4] =	sst s8  }
0x11: {  	[smem:$0x3FB5] =	sst s9;
	s0 =	simm.s32 @!p0 $0x0  }
0x12: {  	s1 =	sld [smem:$0x3F9B];
	s0 =	simm.s32 @p0 $0x1  }
0x13: {  	[smem:$0x3FB6] =	sst s0;
	s0 =	simm.s32 @!p1 $0x0  }
0x14: {  	s2 =	sld [smem:$0x3F9A];
	s0 =	simm.s32 @p1 $0x1  }
0x15: {  	[smem:$0x3FB7] =	sst s0;
	s0 =	simm.s32 @!p2 $0x0  }
0x16: {  	s3 =	sld [smem:$0x3FDB];
	s0 =	simm.s32 @p2 $0x1  }
0x17: {  	s4 =	simm.s32 $0x1BF5;
	[smem:$0x3FB9] =	sst s0  }
0x18: {  	s0 =	sld [smem:$0x3F9C];
	_ =	swait.ge [sflag:s4], $0x0  }
0x19: {  	s7 =	sld [smem:$0x3F9D]  }
0x1a: {  	s8 =	sadd.s32 $0xFFFFE003, lr  }
0x1b: {  	s9 =	sadd.s32 $0xFFFFFEF7, lr;
	s5 =	simm.s32 $0xFFFFFFFF;
	p2 =	slt.u32 s8, $0xFFFFF086  }
0x1c: {  	p1 =	slt.u32 s9, $0xF7A;
	s5 =	simm.s32 @!p2 $0x0  }
0x1d: {  	s5 =	simm.s32 @p1 $0x1;
	p0 =	seq.s32 s7, s2  }
0x1e: {  	s7 =	smul.u32 @!p0 $0xF7A, s2;
	p2 =	seq.s32 @!p0 s5, $0x0  }
0x1f: {  	s9 =	smul.u32 $0xF7A, s1;
	s8 =	simm.s32 @!p0 $0x1BF5;
	p2 =	por !p2, p0  }
0x20: {  	[sflag:s8] =	ssyncset.s32 @!p0 $0xFFFFF086;
	s6 =	sadd.s32 @!p0 s3, s7;
	s7 =	simm.s32 @!p0 $0x108  }
0x21: {  	s3 =	sadd.s32 s3, s9;
	s6 =	sadd.s32 @!p0 $0x88, s6;
	s7 =	simm.s32 @p2 $0x1082  }
0x22: {  	[simem:s7], [sflag:s8] =	dma.local @!p0 [hbm:s6], $0xF7A  }
0x23: {  	s9 =	sor.u32 $0xD0000000, s2;
	s6 =	simm.s32 $0x108;
	_ =	swait.ge @!p0 [sflag:s8], $0x0  }
0x24: {  	s3 =	sadd.s32 $0x88, s3;
	s6 =	simm.s32 @!p1 $0x1082;
	[sflag:s4] =	ssyncset.s32 $0xFFFFF086  }
0x25: {  	[simem:s6], [sflag:s4] =	dma.local [hbm:s3], $0xF7A  }
0x26: {  	[smem:$0x3F9D] =	sst s1;
	(tag) =	ssettag s2;
	_ =	strace s9  }
0x27: {  	s1 =	sld [smem:$0x3FAD]  }
0x28: {  	s2 =	sld [smem:$0x3FAE]  }
0x29: {  	s4 =	sld [smem:$0x3FB0]  }
0x2a: {  	p0 =	seq.s32 s5, $0x0;
	s5 =	sld [smem:$0x3FB1]  }
0x2b: {  	s6 =	sld [smem:$0x3FB2]  }
0x2c: {  	s7 =	sld [smem:$0x3FB3]  }
0x2d: {  	s3 =	simm.s32 $0x108;
	s8 =	sld [smem:$0x3FB4]  }
0x2e: {  	s3 =	simm.s32 @!p0 $0x1082;
	s9 =	sld [smem:$0x3FB5]  }
0x2f: {  	lr =	sadd.s32 s0, s3;
	s0 =	sld [smem:$0x3FAC]  }
0x30: {  	s3 =	sld [smem:$0x3FAF]  }
0x31: {  	[smem:$0x3FB8] =	sst s10  }
0x32: {  	s10 =	sld [smem:$0x3FB6];
	_ =	sdelay $0x3  }
0x33: {  	p0 =	seq.s32 s10, $0x1;
	s10 =	sld [smem:$0x3FB8];
	_ =	sdelay $0x3  }
0x34: {  	[smem:$0x3FB8] =	sst s10  }
0x35: {  	s10 =	sld [smem:$0x3FB7];
	_ =	sdelay $0x3  }
0x36: {  	p1 =	seq.s32 s10, $0x1;
	s10 =	sld [smem:$0x3FB8];
	_ =	sdelay $0x3  }
0x37: {  	[smem:$0x3FB8] =	sst s10  }
0x38: {  	s10 =	sld [smem:$0x3FB9]  }
0x39: {  	_ = 	snop;
	(pc) =	sbr.ind lr, $3  }
0x3a: {  	_ = 	snop  }
0x3b: {  	_ = 	snop  }
0x3c: {  	p2 =	seq.s32 s10, $0x1;
	s10 =	sld [smem:$0x3FB8]  }
0x3d: {  	_ =	shalt  }
0x3e: {  	_ =	shalt  }
0x3f: {  	_ =	shalt  }
0x40: {  	_ =	shalt  }
0x41: {  	_ =	shalt  }
0x42: {  	_ =	shalt  }
0x43: {  	_ =	shalt  }
0x44: {  	_ =	shalt  }
0x45: {  	_ =	shalt  }
0x46: {  	_ =	shalt  }
0x47: {  	_ =	shalt  }
0x48: {  	_ =	shalt  }
0x49: {  	_ =	shalt  }
0x4a: {  	_ =	shalt  }
0x4b: {  	_ =	shalt  }
0x4c: {  	_ =	shalt  }
0x4d: {  	_ =	shalt  }
0x4e: {  	_ =	shalt  }
0x4f: {  	_ =	shalt  }
0x50: {  	_ =	shalt  }
0x51: {  	_ =	shalt  }
0x52: {  	_ =	shalt  }
0x53: {  	_ =	shalt  }
0x54: {  	_ =	shalt  }
0x55: {  	_ =	shalt  }
0x56: {  	_ =	shalt  }
0x57: {  	_ =	shalt  }
0x58: {  	_ =	shalt  }
0x59: {  	_ =	shalt  }
0x5a: {  	_ =	shalt  }
0x5b: {  	_ =	shalt  }
0x5c: {  	_ =	shalt  }
0x5d: {  	_ =	shalt  }
0x5e: {  	_ =	shalt  }
0x5f: {  	_ =	shalt  }
0x60: {  	_ =	shalt  }
0x61: {  	_ =	shalt  }
0x62: {  	_ =	shalt  }
0x63: {  	_ =	shalt  }
0x64: {  	_ =	shalt  }
0x65: {  	_ =	shalt  }
0x66: {  	_ =	shalt  }
0x67: {  	_ =	shalt  }
0x68: {  	_ =	shalt  }
0x69: {  	_ =	shalt  }
0x6a: {  	_ =	shalt  }
0x6b: {  	_ =	shalt  }
0x6c: {  	_ =	shalt  }
0x6d: {  	_ =	shalt  }
0x6e: {  	_ =	shalt  }
0x6f: {  	_ =	shalt  }
0x70: {  	_ =	shalt  }
0x71: {  	_ =	shalt  }
0x72: {  	_ =	shalt  }
0x73: {  	_ =	shalt  }
0x74: {  	_ =	shalt  }
0x75: {  	_ =	shalt  }
0x76: {  	_ =	shalt  }
0x77: {  	_ =	shalt  }
0x78: {  	_ =	shalt  }
0x79: {  	_ =	shalt  }
0x7a: {  	_ =	shalt  }
0x7b: {  	_ =	shalt  }
0x7c: {  	_ =	shalt  }
0x7d: {  	_ =	shalt  }
0x7e: {  	_ =	shalt  }
0x7f: {  	_ =	shalt  }
0x80: {  	_ =	shalt  }
0x81: {  	_ =	shalt  }
0x82: {  	_ =	shalt  }
0x83: {  	_ =	shalt  }
0x84: {  	_ =	shalt  }
0x85: {  	_ =	shalt  }
0x86: {  	_ =	shalt  }
0x87: {  	_ =	shalt  }
.Lfunc_end0:
.L_simem_size_0:
called_computation_lowered:
.L_overlay_start_0:
0x88: {  	s2 =	sld [smem:$0x3FD9]  }
0x89: {  	s3 =	sld [smem:$0x3FFE];
	_ =	sdelay $0x1  }
0x8a: {  	s1 =	srdreg.scid  }
0x8b: {  	s0 =	sand.u32 $0x1, s1  }
0x8c: {  	s18 =	sshll.u32 s0, $0xA;
	s2 =	sadd.s32 s3, s2  }
0x8d: {  	s2 =	sadd.s32 s2, s18  }
0x8e: {  	[smem:$0x3FC4] =	sst s2  }
0x8f: {  	_ = 	snop  }
0x90: {  	s2 =	sld [smem:$0x3FC9]  }
0x91: {  	s19 =	sld [smem:$0x3FC8]  }
0x92: {  	s4 =	sld [smem:$0x3FC7]  }
0x93: {  	s5 =	sld [smem:$0x3FC6]  }
0x94: {  	s6 =	sld [smem:$0x3FD0];
	(tm) =	ssettm $0x1  }
0x95: {  	s7 =	sld [smem:$0x3FFB];
	_ =	sdelay $0x3  }
0x96: {  	_ =	strace s7  }
0x97: {  	s7 =	sld [smem:$0x3FFC];
	_ =	sdelay $0x3  }
0x98: {  	_ =	strace s7  }
0x99: {  	s7 =	sld [smem:$0x3FFD];
	_ =	sdelay $0x3  }
0x9a: {  	_ =	strace s7  }
0x9b: {  	_ =	strace $0x8FFFFFFF  }
0x9c: {  	s20 =	sld [smem:$0x3FDB];
	_ =	sdelay $0x1  }
0x9d: {  	s8 =	simm.s32 $_scs_section_size  }
0x9e: {  	s9 =	simm.s32 $_size__tile_overlayer_lowered;
	s10 =	simm.s32 $_tile_overlayer_lowered  }
0x9f: {  	s23 =	simm.s32 $0x1BFF;
	s22 =	sshll.u32 s10, $0x1;
	s7 =	sadd.s32 s8, s20  }
0xa0: {  	s11 =	simm.s32 $0x0;
	s21 =	sshll.u32 s9, $0x1;
	s9 =	sadd.s32 s22, s7  }
0xa1: {  	[timem:s11], [sflag:s23] =	dma.local [hbm:s9], s21  }
0xa2: {  	_ =	swait.ge [sflag:s23], s21  }
0xa3: {  	s8 =	ssub.s32 $0x0, s21;
	[sflag:s23] =	ssyncset.done $0x0  }
0xa4: {  	[sflag:s23] =	ssyncadd.s32 s8;
	_ =	sdelay $0x1  }
0xa5: {  	s24 =	simm.s32 $0x1B8B  }
0xa6: {  	_ =	swait.ge [sflag:s24], $0x1  }
0xa7: {  	[sflag:s24] =	ssyncset.done $0x0  }
0xa8: {  	s25 =	simm.s32 $0x1B8E;
	[sflag:s24] =	ssyncadd.s32 $0xFFFFFFFF  }
0xa9: {  	s26 =	simm.s32 $execute0_lowered;
	[smem:$0x3FD2] =	sst s25  }
0xaa: {  	s8 =	sshll.u32 s26, $0x1;
	_ =	strace $0x80000046;
	[dreg:$0x1] =	wrdreg $0xFFFFFFFF  }
0xab: {  	s28 =	simm.s32 $_size_execute0_lowered;
	s7 =	sadd.s32 s7, s8;
	[dreg:$0x0] =	wrdreg $0x0  }
0xac: {  	s8 =	sshll.u32 s28, $0x1;
	[dreg:$0x2] =	wrdreg s7  }
0xad: {  	[dreg:$0x3] =	wrdreg s8  }
0xae: {  	[dreg:$0x4] =	wrdreg $0xC0  }
0xaf: {  	_ =	task [dreg:s11], $0x5FFFF  }
0xb0: {  	[dreg:$0x1] =	wrdreg $0xFFFFFFFF  }
0xb1: {  	[dreg:$0x0] =	wrdreg $0x60  }
0xb2: {  	[dreg:$0x2] =	wrdreg s2  }
0xb3: {  	[dreg:$0x3] =	wrdreg s19  }
0xb4: {  	[dreg:$0x4] =	wrdreg s4  }
0xb5: {  	[dreg:$0x5] =	wrdreg s5  }
0xb6: {  	[dreg:$0x6] =	wrdreg s6  }
0xb7: {  	[dreg:$0x7] =	wrdreg $0xC7000  }
0xb8: {  	[dreg:$0x8] =	wrdreg $0x9  }
0xb9: {  	_ =	task.clear_ibuf [dreg:s11], $0x9FFFF;
	_ =	strace $0x90000046  }
0xba: {  	s29 =	simm.s32 $0x9;
	_ =	strace $0x80000048  }
0xbb: {  	_ =	swait.ge [sflag:s29], $0x1  }
0xbc: {  	[sflag:s29] =	ssyncadd.s32 $0xFFFFFFFF  }
0xbd: {  	_ =	strace $0x90000048  }
0xbe: {  	_ =	sfence  }
0xbf: {  	s30 =	sld [smem:$0x0];
	_ =	sdelay $0x2  }
0xc0: {  	s31 =	sshll.u32 s1, $0xD;
	s1 =	sshrl.u32 s1, $0x2  }
0xc1: {  	s3 =	sand.u32 $0x4000, s31;
	s1 =	sadd.s32 s1, s30  }
0xc2: {  	s0 =	sor.u32 s3, s0;
	s1 =	sshll.u32 s1, $0x11  }
0xc3: {  	s0 =	sor.u32 s1, s0  }
0xc4: {  	s0 =	sadd.s32 $0x8F2B, s0  }
0xc5: {  	[sflag:s0] =	ssyncadd.remote.s32 $0x1  }
0xc6: {  	_ =	sfence.sel $0xFFFF  }
0xc7: {  	[dreg:$0x0] =	wrdreg $0xFFFFFFFF;
	(pc) =	sbr.abs _section_cstart, $3  }
0xc8: {  	[dreg:$0x1] =	wrdreg $0xFFFFFFFF  }
0xc9: {  	_ =	task.clear_ibuf [dreg:s11], $0x2FFFF;
	_ =	strace $0x9FFFFFFF  }
0xca: {  	(tm) =	ssettm $0x7FFFFFFF  }
0xcb: {  	_ =	shalt  }
tec
execute0_lowered:
.L_overlay_start_1:
0x0: {  	(tag) =	ssettag $0x1  }
0x1: {  	s1 =	rddreg [dreg:$0x0]  }
0x2: {  	s5 =	rddreg [dreg:$0x1]  }
0x3: {  	s6 =	rddreg [dreg:$0x2]  }
0x4: {  	s8 =	rddreg [dreg:$0x3]  }
0x5: {  	s2 =	srdreg.scid;
	s9 =	rddreg [dreg:$0x4]  }
0x6: {  	s0 =	stileid.u32;
	s3 =	rddreg [dreg:$0x5]  }
0x7: {  	s4 =	simm.s32 $0x0;
	s16 =	simm.s32 $0x8B00;
	s20 =	simm.s32 $0x1  }
0x8: {  	s21 =	simm.s32 $0x2;
	s22 =	simm.s32 $0x4D00;
	s28 =	simm.s32 $0x4DF0  }
0x9: {  	s29 =	simm.s32 $0x4E68;
	s30 =	simm.s32 $0x0;
	s11 =	smul.u32 $0x4F000, s0  }
0xa: {  	s7 =	sand.u32 $0x1, s2;
	s23 =	sshll.u32 s0, $0x1;
	s13 =	smul.u32 $0x2780, s0  }
0xb: {  	[smem:$0x7FF] =	sst s4;
	s25 =	smul.u32 $0x13C00, s0;
	s17 =	sadd.s32 $0x128400, s3  }
0xc: {  	p0 =	seq.s32 s0, $0xF;
	s2 =	sor.u32 s7, s23;
	s12 =	ssub.s32 $0x2, s7  }
0xd: {  	_ =	strace $0x80000047;
	s15 =	smul.u32 $0x138800, s7;
	s17 =	sshrl.u32 @p0 s17, $0x3  }
0xe: {  	s18 =	sshll.u32 @!p0 s0, $0x6;
	s23 =	simm.s32 $0x4D78;
	s10 =	smul.u32 $0x4E2, s2  }
0xf: {  	s14 =	sshrl.u32 s12, $0x1;
	s24 =	sshrl.u32 s11, $0x2;
	s7 =	sadd.s32 s8, s13  }
0x10: {  	s8 =	sadd.s32 $0x25080, s8;
	s13 =	simm.s32 $0x2780;
	s18 =	sor.u32 @!p0 $0x1C03, s18  }
0x11: {  	s12 =	ssub.s32 s12, s14;
	s19 =	sadd.s32 s24, s3;
	s26 =	sadd.s32 s25, s15  }
0x12: {  	s31 =	sshrl.u32 s15, $0x3;
	s14 =	simm.s32 $0x78;
	s15 =	simm.s32 $0x4F00  }
0x13: {  	s24 =	simm.s32 $0x2670;
	s25 =	simm.s32 $0x28;
	s5 =	sadd.s32 s5, s10  }
0x14: {  	s6 =	sadd.s32 s6, s10;
	s10 =	sshrl.u32 s26, $0x3;
	s11 =	sadd.s32 s9, s31  }
0x15: {  	s19 =	sshrl.u32 @!p0 s19, $0x3;
	s26 =	simm.s32 $0x26E8;
	s9 =	sadd.s32 s9, s10  }
0x16: {  	s10 =	sadd.s32 $0x25080, s11;
	s11 =	smax.u32 s12, $0x1;
	s12 =	simm.s32 $0x3  }
.LBB2_1:
0x17: {  	[tilespmem:s4], [sflag:$0x3] =	stream.linear.gather [hbm4b:s5+s4], $0x2710, $0x38;
	[tilespmem:$0x1FF80] =	vst v63  }
0x18: {  	_ =	swait.ge [sflag:s12], $0x2710  }
0x19: {  	[sflag:s12] =	ssyncset.done $0x0  }
0x1a: {  	[sflag:s12] =	ssyncadd.s32 $0xFFFFD8F0  }
0x1b: {  	[tilespmem:s13], [sflag:$0x3] =	stream.linear.gather [hbm4b:s6+s4], $0x2710, $0x38;
	[tilespmem:$0x1FF80] =	vst v63  }
0x1c: {  	_ =	swait.ge [sflag:s12], $0x2710  }
0x1d: {  	[sflag:s12] =	ssyncset.done $0x0  }
0x1e: {  	[sflag:s12] =	ssyncadd.s32 $0xFFFFD8F0  }
0x1f: {  	[tilespmem:s15], [sflag:$0x1] =	stream.indirect.gather [hbm4b:s1+s14], $0x80, s4, s14, $0xb8;
	[tilespmem:$0x1FF80] =	vst v63  }
0x20: {  	s31 =	simm.s32 @p0 $0x1FC3  }
0x21: {  	[tilespmem:s16], [sflag:$0x2] =	stream.indirect.gather [hbm4b:s1+s14], $0x80, s14, s14, $0xb8;
	[tilespmem:$0x1FF80] =	vst v63  }
0x22: {  	[spmem:s17], [sflag:s31] =	dma.local @p0 [hbm:s8], $0x2080  }
0x23: {  	s31 =	simm.s32 @p0 $0x3  }
0x24: {  	_ =	swait.ge @p0 [sflag:s31], $0x2080  }
0x25: {  	[sflag:s31] =	ssyncset.done @p0 $0x0  }
0x26: {  	[sflag:s31] =	ssyncadd.s32 @p0 $0xFFFFDF80;
	s31 =	simm.s32 @!p0 $0x3  }
0x27: {  	[spmem:s19], [sflag:s18] =	dma.local @!p0 [hbm:s7], $0x2780  }
0x28: {  	_ =	swait.ge @!p0 [sflag:s31], $0x2780  }
0x29: {  	[sflag:s31] =	ssyncset.done @!p0 $0x0  }
0x2a: {  	[sflag:s31] =	ssyncadd.s32 @!p0 $0xFFFFD880  }
0x2b: {  	[bflag:$0x0] =	sbarrier.arrive $0xFFFF  }
0x2c: {  	_ =	swait.ge [sflag:s20], $0x3C00  }
0x2d: {  	[sflag:s20] =	ssyncset.done $0x0  }
0x2e: {  	s31 =	simm.s32 $0xF0;
	[sflag:s20] =	ssyncadd.s32 $0xFFFFC400  }
0x2f: {  	[tilespmem:s15], [sflag:$0x1] =	stream.indirect.gather [hbm4b:s1+s14], $0x80, s31, s14, $0xb8;
	[tilespmem:$0x1FF80] =	vst v63  }
0x30: {  	s31 =	simm.s32 $0x2780  }
0x31: {  	[spmem:s3] =	stream.indirect.scatter.add.f32 [tilespmem:s15], [sflag:$0x3], $0x80, s31, s14, $0xb8;
	[tilespmem:$0x1FF80] =	vst v63  }
0x32: {  	_ =	swait.ge [sflag:s12], $0x3C00  }
0x33: {  	[sflag:s12] =	ssyncset.done $0x0  }
0x34: {  	[sflag:s12] =	ssyncadd.s32 $0xFFFFC400  }
0x35: {  	_ =	swait.ge [sflag:s21], $0x3C00  }
0x36: {  	[sflag:s21] =	ssyncset.done $0x0  }
0x37: {  	s31 =	simm.s32 $0x168;
	[sflag:s21] =	ssyncadd.s32 $0xFFFFC400  }
0x38: {  	[tilespmem:s16], [sflag:$0x2] =	stream.indirect.gather [hbm4b:s1+s14], $0x80, s31, s14, $0xb8;
	[tilespmem:$0x1FF80] =	vst v63  }
0x39: {  	s31 =	simm.s32 $0x27F8  }
0x3a: {  	[spmem:s3] =	stream.indirect.scatter.add.f32 [tilespmem:s16], [sflag:$0x3], $0x80, s31, s14, $0xb8;
	[tilespmem:$0x1FF80] =	vst v63  }
0x3b: {  	_ =	swait.ge [sflag:s12], $0x3C00  }
0x3c: {  	s31 =	simm.s32 $0x3C0;
	[sflag:s12] =	ssyncset.done $0x0  }
.LBB2_2:
0x3d: {  	p1 =	sne.s32 s31, $0x9240  }
0x3e: {  	[sflag:s12] =	ssyncadd.s32 $0xFFFFC400;
	s2 =	smov.u32 s31;
	s31 =	sadd.s32 $0x3C0, s31  }
0x3f: {  	_ = 	snop  }
0x40: {  	_ =	swait.ge [sflag:s20], $0x3C00  }
0x41: {  	s2 =	sshra.s32 s2, $0x2;
	[sflag:s20] =	ssyncset.done $0x0  }
0x42: {  	s0 =	sadd.s32 $0xF0, s2;
	[sflag:s20] =	ssyncadd.s32 $0xFFFFC400  }
0x43: {  	[tilespmem:s15], [sflag:$0x1] =	stream.indirect.gather [hbm4b:s1+s14], $0x80, s0, s14, $0xb8;
	[tilespmem:$0x1FF80] =	vst v63  }
0x44: {  	s0 =	sadd.s32 $0x2780, s2  }
0x45: {  	[spmem:s3] =	stream.indirect.scatter.add.f32 [tilespmem:s15], [sflag:$0x3], $0x80, s0, s14, $0xb8;
	[tilespmem:$0x1FF80] =	vst v63  }
0x46: {  	_ =	swait.ge [sflag:s12], $0x3C00  }
0x47: {  	[sflag:s12] =	ssyncset.done $0x0  }
0x48: {  	[sflag:s12] =	ssyncadd.s32 $0xFFFFC400  }
0x49: {  	_ =	swait.ge [sflag:s21], $0x3C00  }
0x4a: {  	[sflag:s21] =	ssyncset.done $0x0  }
0x4b: {  	s0 =	sadd.s32 $0x168, s2;
	[sflag:s21] =	ssyncadd.s32 $0xFFFFC400  }
0x4c: {  	[tilespmem:s16], [sflag:$0x2] =	stream.indirect.gather [hbm4b:s1+s14], $0x80, s0, s14, $0xb8;
	[tilespmem:$0x1FF80] =	vst v63  }
.Ltmp0:
0x4d: {  	_ = 	snop;
	(pc) =	sbr.rel @p1 .LBB2_2-.Ltmp0, $4  }
0x4e: {  	s0 =	sadd.s32 $0x27F8, s2  }
0x4f: {  	[spmem:s3] =	stream.indirect.scatter.add.f32 [tilespmem:s16], [sflag:$0x3], $0x80, s0, s14, $0xb8;
	[tilespmem:$0x1FF80] =	vst v63  }
0x50: {  	_ =	swait.ge [sflag:s12], $0x3C00  }
0x51: {  	[sflag:s12] =	ssyncset.done $0x0  }
0x52: {  	[sflag:s12] =	ssyncadd.s32 $0xFFFFC400  }
0x53: {  	_ =	swait.ge [sflag:s20], $0x3C00  }
0x54: {  	[sflag:s20] =	ssyncset.done $0x0  }
0x55: {  	[sflag:s20] =	ssyncadd.s32 $0xFFFFC400  }
0x56: {  	[spmem:s3] =	stream.indirect.scatter.add.f32 [tilespmem:s15], [sflag:$0x3], $0x80, s22, s14, $0xb8;
	[tilespmem:$0x1FF80] =	vst v63  }
0x57: {  	_ =	swait.ge [sflag:s12], $0x3C00  }
0x58: {  	[sflag:s12] =	ssyncset.done $0x0  }
0x59: {  	[sflag:s12] =	ssyncadd.s32 $0xFFFFC400  }
0x5a: {  	_ =	swait.ge [sflag:s21], $0x3C00  }
0x5b: {  	[sflag:s21] =	ssyncset.done $0x0  }
0x5c: {  	[sflag:s21] =	ssyncadd.s32 $0xFFFFC400  }
0x5d: {  	[spmem:s3] =	stream.indirect.scatter.add.f32 [tilespmem:s16], [sflag:$0x3], $0x80, s23, s14, $0xb8;
	[tilespmem:$0x1FF80] =	vst v63  }
0x5e: {  	_ =	swait.ge [sflag:s12], $0x3C00  }
0x5f: {  	[sflag:s12] =	ssyncset.done $0x0  }
0x60: {  	[sflag:s12] =	ssyncadd.s32 $0xFFFFC400  }
0x61: {  	[tilespmem:s15], [sflag:$0x1] =	stream.indirect.gather [hbm4b:s1+s14], $0x80, s24, s14, $0xb8;
	[tilespmem:$0x1FF80] =	vst v63  }
0x62: {  	_ = 	snop  }
0x63: {  	[tilespmem:s16], [sflag:$0x2] =	stream.indirect.gather [hbm4b:s1+s25], $0x80, s26, s25, $0xb8;
	[tilespmem:$0x1FF80] =	vst v63  }
0x64: {  	_ =	swait.ge [sflag:s20], $0x3C00  }
0x65: {  	[sflag:s20] =	ssyncset.done $0x0  }
0x66: {  	[sflag:s20] =	ssyncadd.s32 $0xFFFFC400  }
0x67: {  	[spmem:s3] =	stream.indirect.scatter.add.f32 [tilespmem:s15], [sflag:$0x3], $0x80, s28, s14, $0xb8;
	[tilespmem:$0x1FF80] =	vst v63  }
0x68: {  	_ =	swait.ge [sflag:s12], $0x3C00  }
0x69: {  	[sflag:s12] =	ssyncset.done $0x0  }
0x6a: {  	[sflag:s12] =	ssyncadd.s32 $0xFFFFC400  }
0x6b: {  	_ =	swait.ge [sflag:s21], $0x1400  }
0x6c: {  	[sflag:s21] =	ssyncset.done $0x0  }
0x6d: {  	[sflag:s21] =	ssyncadd.s32 $0xFFFFEC00  }
0x6e: {  	[spmem:s3] =	stream.indirect.scatter.add.f32 [tilespmem:s16], [sflag:$0x3], $0x80, s29, s25, $0xb8;
	[tilespmem:$0x1FF80] =	vst v63  }
0x6f: {  	_ =	swait.ge [sflag:s12], $0x1400  }
0x70: {  	[sflag:s12] =	ssyncset.done $0x0  }
0x71: {  	[sflag:s12] =	ssyncadd.s32 $0xFFFFEC00  }
0x72: {  	s0 =	simm.s32 @p0 $0x1FC3;
	[bflag:$0x0] =	sbarrier.arrive $0xFFFF  }
0x73: {  	[hbm:s10], [sflag:s0] =	dma.local @p0 [spmem:s17], $0x2080  }
0x74: {  	s0 =	simm.s32 @p0 $0x3  }
0x75: {  	s30 =	sadd.s32 $0x1, s30;
	_ =	swait.ge @p0 [sflag:s0], $0x2080  }
0x76: {  	p1 =	sne.s32 s30, s11;
	[sflag:s0] =	ssyncset.done @p0 $0x0  }
.Ltmp1:
0x77: {  	[sflag:s0] =	ssyncadd.s32 @p0 $0xFFFFDF80;
	s0 =	simm.s32 @!p0 $0x3;
	(pc) =	sbr.rel @p1 .LBB2_1-.Ltmp1, $4  }
0x78: {  	[hbm:s9], [sflag:s18] =	dma.local @!p0 [spmem:s19], $0x2780  }
0x79: {  	_ =	swait.ge @!p0 [sflag:s0], $0x2780  }
0x7a: {  	[sflag:s0] =	ssyncset.done @!p0 $0x0  }
0x7b: {  	[sflag:s0] =	ssyncadd.s32 @!p0 $0xFFFFD880  }
0x7c: {  	_ =	sfence.sel $0x180000  }
0x7d: {  	[bflag:$0x0] =	sbarrier.arrive $0xFFFF  }
0x7e: {  	_ =	strace $0x90000047  }
0x7f: {  	s0 =	stileid.u32;
	[bflag:$0x2] =	sbarrier.arrive $0xFFFF  }
0x80: {  	p0 =	sne.s32 s0, $0x0;
	s0 =	rddreg [dreg:$0x6]  }
0x81: {  	s0 =	sadd.s32 @!p0 $0x100000, s0  }
0x82: {  	[sflag:s0] =	ssyncadd.tile.s32 @!p0 $0x1;
	_ =	shalt  }
.Lfunc_end2:
_tile_overlayer_lowered:
.L_overlay_start_2:
0x83: {  	(tag) =	ssettag $0x2  }
0x84: {  	s0 =	rddreg [dreg:$0x0];
	s2 =	stileid.u32  }
0x85: {  	s1 =	rddreg [dreg:$0x1];
	p0 =	sne.s32 s2, $0x0  }
0x86: {  	s3 =	rddreg [dreg:$0x2];
	[bflag:$0x3] =	sbarrier.arrive $0xFFFF;
	s2 =	simm.s32 @!p0 $0x1C03  }
0x87: {  	[timem:s3], [sflag:s2] =	dma.local @!p0 [hbm:s0], s1  }
0x88: {  	s0 =	simm.s32 @!p0 $0x3  }
0x89: {  	_ =	swait.ge @!p0 [sflag:s0], s1  }
0x8a: {  	s1 =	ssub.s32 @!p0 $0x0, s1;
	[sflag:s0] =	ssyncset.done @!p0 $0x0  }
0x8b: {  	[sflag:s0] =	ssyncadd.s32 @!p0 s1  }
0x8c: {  	[bflag:$0x3] =	sbarrier.arrive $0xFFFF  }
0x8d: {  	_ =	shalt  }

</sc_bundles>
